<compile_context>
chip_gen: v7x
topology: tpu7x:2x2x1
jax: 0.10.2.dev20260603
libtpu: 0.0.44.dev20260713+nightly
codegen_flags: <defaults>
</compile_context>

<pallas_src>
import jax
import jax.numpy as jnp
from jax import lax
from jax.experimental import pallas as pl
from jax.experimental.pallas import tpu as pltpu
from jax.experimental.pallas import tpu_sc as plsc

N = 10000
E = 320000
D = 128
G = 64

NC = 2
NS = 16
DH = D

K = 64
CHUNKS = 160
W_EDGES = CHUNKS * K
E_PAD = NC * NS * W_EDGES
N_ACC = 10240
ROWS_PER_TILE = N_ACC // NS
DUMMY_DST = N + 8

NBLK = N
NSTEPS = N // NBLK


def _sc_body(xh, srcp, dstp, zrows, zcnt, ones_hbm,
             agg_out, cnt_out,
             src_all, dst_all, rows_a, rows_b, ones_v, acc_sh, cnt_sh,
             gsem0, gsem1, ssem0, ssem1):
    c = lax.axis_index("c")
    s = lax.axis_index("s")
    rows = (rows_a, rows_b)
    gsem = (gsem0, gsem1)
    ssem = (ssem0, ssem1)

    wid = s * NC + c
    pltpu.sync_copy(srcp.at[pl.ds(wid * CHUNKS, CHUNKS)], src_all)
    pltpu.sync_copy(dstp.at[pl.ds(wid * CHUNKS, CHUNKS)], dst_all)
    pltpu.sync_copy(ones_hbm, ones_v)

    base = s * ROWS_PER_TILE
    pltpu.sync_copy(zrows, acc_sh.at[pl.ds(base, ROWS_PER_TILE)])
    pltpu.sync_copy(zcnt, cnt_sh.at[pl.ds(base, ROWS_PER_TILE)])
    plsc.subcore_barrier()

    x_half = xh

    def start_gather(j, b):
        pltpu.async_copy(x_half.at[src_all.at[j]], rows[b], gsem[b])

    def wait_gather(j, b):
        pltpu.make_async_copy(x_half.at[src_all.at[j]], rows[b],
                              gsem[b]).wait()

    def start_scatter(j, b):
        pltpu.async_copy(rows[b], acc_sh.at[dst_all.at[j]], ssem[b],
                         add=True)

    def wait_scatter(j, b):
        pltpu.make_async_copy(rows[b], acc_sh.at[dst_all.at[j]],
                              ssem[b]).wait()

    def count(j):
        pltpu.sync_copy(ones_v, cnt_sh.at[dst_all.at[j]], add=True)

    start_gather(0, 0)
    wait_gather(0, 0)
    start_scatter(0, 0)
    start_gather(1, 1)

    def pair(p, carry):
        for b in range(2):
            j = 2 * p + 1 + b
            wait_scatter(j - 1, b)
            start_gather(j + 1, b)
            wait_gather(j, 1 - b)
            start_scatter(j, 1 - b)

            count(j - 1)
        return carry

    lax.fori_loop(0, CHUNKS // 2 - 1, pair, 0)
    j_last = CHUNKS - 1
    wait_scatter(j_last - 1, 0)
    wait_gather(j_last, 1)
    start_scatter(j_last, 1)
    wait_scatter(j_last, 1)

    count(j_last - 1)
    count(j_last)

    plsc.subcore_barrier()

    pltpu.sync_copy(acc_sh.at[pl.ds(base, ROWS_PER_TILE)],
                    agg_out.at[c].at[pl.ds(base, ROWS_PER_TILE)])

    pltpu.sync_copy(cnt_sh.at[pl.ds(base, ROWS_PER_TILE)],
                    cnt_out.at[c].at[pl.ds(base, ROWS_PER_TILE)])


@jax.jit
def _sc_aggregate(xh, srcp, dstp):
    zrows = jnp.zeros((ROWS_PER_TILE, DH), jnp.float32)
    zcnt = jnp.zeros((ROWS_PER_TILE,), jnp.float32)
    ones = jnp.ones((K,), jnp.float32)
    mesh = plsc.VectorSubcoreMesh(core_axis_name="c", subcore_axis_name="s")
    return pl.kernel(
        _sc_body,
        out_type=(
            jax.ShapeDtypeStruct((NC, N_ACC, DH), jnp.float32),
            jax.ShapeDtypeStruct((NC, N_ACC), jnp.float32),
        ),
        mesh=mesh,
        compiler_params=pltpu.CompilerParams(use_tc_tiling_on_sc=False),
        scratch_types=[
            pltpu.VMEM((CHUNKS, K), jnp.int32),
            pltpu.VMEM((CHUNKS, K), jnp.int32),
            pltpu.VMEM((K, DH), jnp.float32),
            pltpu.VMEM((K, DH), jnp.float32),
            pltpu.VMEM((K,), jnp.float32),
            pltpu.VMEM_SHARED((N_ACC, DH), jnp.float32),
            pltpu.VMEM_SHARED((N_ACC,), jnp.float32),
            pltpu.SemaphoreType.DMA,
            pltpu.SemaphoreType.DMA,
            pltpu.SemaphoreType.DMA,
            pltpu.SemaphoreType.DMA,
        ],
    )(xh, srcp, dstp, zrows, zcnt, ones)


def _tc_body(x_ref, agg0, agg1, cnt0, cnt1, batch_ref,
             wl0, wl1, bl, wr, aw, ab, lw, lb,
             out_ref, pooled_acc, gcnt_acc):
    j = pl.program_id(0)

    @pl.when(j == 0)
    def _init():
        pooled_acc[...] = jnp.zeros_like(pooled_acc)
        gcnt_acc[...] = jnp.zeros_like(gcnt_acc)

    inv = 1.0 / jnp.maximum(cnt0[...] + cnt1[...], 1.0)
    h = lax.dot_general(agg0[...] * inv, wl0[...], (((1,), (1,)), ((), ())),
                        preferred_element_type=jnp.float32)
    h = h + lax.dot_general(agg1[...] * inv, wl1[...],
                            (((1,), (1,)), ((), ())),
                            preferred_element_type=jnp.float32)
    h = h + lax.dot_general(x_ref[...], wr[...], (((1,), (1,)), ((), ())),
                            preferred_element_type=jnp.float32)
    h = jnp.maximum(h + bl[...], 0.0)
    att = jnp.sum(h * aw[...], axis=1, keepdims=True)
    att = jax.nn.sigmoid(att + ab[0, 0])
    hs = h * att
    onehot = (batch_ref[...] ==
              lax.broadcasted_iota(jnp.int32, (NBLK, G), 1)).astype(jnp.float32)
    pooled_acc[...] += lax.dot_general(onehot, hs, (((0,), (0,)), ((), ())),
                                       preferred_element_type=jnp.float32)
    gcnt_acc[...] += lax.dot_general(onehot, jnp.ones_like(hs),
                                     (((0,), (0,)), ((), ())),
                                     preferred_element_type=jnp.float32)

    @pl.when(j == NSTEPS - 1)
    def _final():
        pooled = pooled_acc[...] / jnp.maximum(gcnt_acc[...], 1.0)
        out_ref[...] = lax.dot_general(
            pooled, lw[...], (((1,), (1,)), ((), ())),
            preferred_element_type=jnp.float32) + lb[...]


@jax.jit
def _tc_dense(x, agg, cnt, batch, W_l, b_l, W_r, att_w, att_b, lin_w, lin_b):
    cnt3 = cnt.reshape(NC, N_ACC, 1)
    batch2 = batch.reshape(N, 1).astype(jnp.int32)
    const = lambda shape: pl.BlockSpec(shape, lambda j: tuple(0 for _ in shape))
    return pl.pallas_call(
        _tc_body,
        grid=(NSTEPS,),
        in_specs=[
            pl.BlockSpec((NBLK, D), lambda j: (j, 0)),
            pl.BlockSpec((NBLK, D), lambda j: (j, 0)),
            pl.BlockSpec((NBLK, D), lambda j: (j, 0)),
            pl.BlockSpec((NBLK, 1), lambda j: (j, 0)),
            pl.BlockSpec((NBLK, 1), lambda j: (j, 0)),
            pl.BlockSpec((NBLK, 1), lambda j: (j, 0)),
            const((D, D)),
            const((D, D)),
            const((1, D)),
            const((D, D)),
            const((1, D)),
            const((1, 1)),
            const((D, D)),
            const((1, D)),
        ],
        out_specs=pl.BlockSpec((G, D), lambda j: (0, 0)),
        out_shape=jax.ShapeDtypeStruct((G, D), jnp.float32),
        scratch_shapes=[
            pltpu.VMEM((G, D), jnp.float32),
            pltpu.VMEM((G, D), jnp.float32),
        ],
    )(x, agg[0], agg[1], cnt3[0], cnt3[1], batch2,
      W_l, W_l, b_l.reshape(1, D), W_r, att_w,
      att_b.reshape(1, 1), lin_w, lin_b.reshape(1, D))


def kernel(x, edge_index, batch, W_l, b_l, W_r, att_w, att_b, lin_w, lin_b):
    src = edge_index[0]
    dst = edge_index[1]
    pad = E_PAD - E
    pad_src = (jnp.arange(pad, dtype=src.dtype) * 37) % N
    pad_dst = N + 16 + (jnp.arange(pad, dtype=dst.dtype) % (N_ACC - N - 16))
    srcp = jnp.concatenate([src, pad_src]).reshape(NC * NS * CHUNKS, K)
    dstp = jnp.concatenate([dst, pad_dst]).reshape(NC * NS * CHUNKS, K)
    xh = x
    agg, cnt = _sc_aggregate(xh, srcp.astype(jnp.int32), dstp.astype(jnp.int32))
    return _tc_dense(x, agg, cnt, batch,
                     W_l, b_l, W_r, att_w, att_b, lin_w, lin_b)

# --- scband reference (transcript-rebuilt; emitter-appended) ---
"""Pipeline reference for scband-graph-model-attention-40948218200432 (READ-ONLY COPY).

The authoritative reference and input builder live on the scoring server;
editing this copy changes nothing except your own understanding.
"""

import jax, jax.numpy as jnp
import numpy as np

N = 10000
E = 320000
D = 128
H = 128
O = 128
G = 64


def setup_inputs(seed: int = 0) -> dict:
    key = jax.random.key(seed)
    ks = jax.random.split(key, 10)
    x = jax.random.normal(ks[0], (N, D), dtype=jnp.float32)
    edge_index = jax.random.randint(ks[1], (2, E), 0, N)
    batch = jnp.sort(jax.random.randint(ks[2], (N,), 0, G))
    s_d = 1.0 / np.sqrt(D)
    s_h = 1.0 / np.sqrt(H)
    W_l = jax.random.uniform(ks[3], (H, D), jnp.float32, -s_d, s_d)
    b_l = jax.random.uniform(ks[4], (H,), jnp.float32, -s_d, s_d)
    W_r = jax.random.uniform(ks[5], (H, D), jnp.float32, -s_d, s_d)
    att_w = jax.random.uniform(ks[6], (1, H), jnp.float32, -s_h, s_h)
    att_b = jax.random.uniform(ks[7], (1,), jnp.float32, -s_h, s_h)
    lin_w = jax.random.uniform(ks[8], (O, H), jnp.float32, -s_h, s_h)
    lin_b = jax.random.uniform(ks[9], (O,), jnp.float32, -s_h, s_h)
    return {"x": x, "edge_index": edge_index, "batch": batch,
            "W_l": W_l, "b_l": b_l, "W_r": W_r,
            "att_w": att_w, "att_b": att_b,
            "lin_w": lin_w, "lin_b": lin_b}


def reference(x, edge_index, batch, W_l, b_l, W_r, att_w, att_b, lin_w, lin_b):
    src = edge_index[0]
    dst = edge_index[1]
    # SAGEConv: mean aggregation of source features at destination nodes
    msgs = jnp.take(x, src, axis=0)
    agg = jax.ops.segment_sum(msgs, dst, num_segments=N)
    cnt = jax.ops.segment_sum(jnp.ones((E,), x.dtype), dst, num_segments=N)
    mean_nbr = agg / jnp.clip(cnt, 1.0)[:, None]
    h = mean_nbr @ W_l.T + b_l + x @ W_r.T
    h = jax.nn.relu(h)
    # attention scoring
    scores = jax.nn.sigmoid(h @ att_w.T + att_b)
    h = h * scores
    # global mean pool per graph
    pooled = jax.ops.segment_sum(h, batch, num_segments=G)
    gcnt = jax.ops.segment_sum(jnp.ones((N,), h.dtype), batch, num_segments=G)
    pooled = pooled / jnp.clip(gcnt, 1.0)[:, None]
    return pooled @ lin_w.T + lin_b

if __name__ == "__main__":
    import jax
    _d = setup_inputs()
    print(jax.jit(kernel)(*tuple(_d.values())))

</pallas_src>

<mosaic_0001>
#map = affine_map<(d0, d1) -> (0, 0)>
#map1 = affine_map<(d0, d1) -> (0)>
#map2 = affine_map<(d0, d1) -> (0, 0, 0)>
module attributes {stable_mosaic.version = 14 : i64} {
  func.func @_sc_body(%arg0: i32, %arg1: i32, %arg2: memref<10000x128xf32, #tpu.memory_space<hbm>>, %arg3: memref<5120x64xi32, #tpu.memory_space<hbm>>, %arg4: memref<5120x64xi32, #tpu.memory_space<hbm>>, %arg5: memref<640x128xf32, #tpu.memory_space<hbm>>, %arg6: memref<640xf32, #tpu.memory_space<hbm>>, %arg7: memref<64xf32, #tpu.memory_space<hbm>>, %arg8: memref<2x10240x128xf32, #tpu.memory_space<hbm>>, %arg9: memref<2x10240xf32, #tpu.memory_space<hbm>>, %arg10: memref<160x64xi32, #tpu.memory_space<vmem>>, %arg11: memref<160x64xi32, #tpu.memory_space<vmem>>, %arg12: memref<64x128xf32, #tpu.memory_space<vmem>>, %arg13: memref<64x128xf32, #tpu.memory_space<vmem>>, %arg14: memref<64xf32, #tpu.memory_space<vmem>>, %arg15: memref<10240x128xf32, #tpu.memory_space<vmem_shared>>, %arg16: memref<10240xf32, #tpu.memory_space<vmem_shared>>, %arg17: memref<!tpu.dma_semaphore, #tpu.memory_space<semaphore_mem>>, %arg18: memref<!tpu.dma_semaphore, #tpu.memory_space<semaphore_mem>>, %arg19: memref<!tpu.dma_semaphore, #tpu.memory_space<semaphore_mem>>, %arg20: memref<!tpu.dma_semaphore, #tpu.memory_space<semaphore_mem>>) attributes {dimension_semantics = [#tpu.dimension_semantics<core_parallel>, #tpu.dimension_semantics<subcore_parallel>], iteration_bounds = array<i64: 2, 16>, scalar_prefetch = 0 : i64, scratch_operands = 11 : i64, tpu.core_type = #tpu.core_type<sc_vector_subcore>, window_params = [{transform_indices = #map}, {transform_indices = #map}, {transform_indices = #map}, {transform_indices = #map}, {transform_indices = #map1}, {transform_indices = #map1}, {transform_indices = #map2}, {transform_indices = #map}]} {
    %mul3A = arith.constant 2 : i32
    %mul3A_0 = arith.muli %arg1, %mul3A : i32
    %add3A = arith.addi %mul3A_0, %arg0 : i32
    %mul3A_1 = arith.constant 160 : i32
    %mul3A_2 = arith.muli %add3A, %mul3A_1 : i32
    "tpu.region"() ({
      %run_scoped3A_68 = tpu.sem_alloc : memref<!tpu.dma_semaphore, #tpu.memory_space<semaphore_mem>>
      %dma_start3A_69 = arith.constant 0 : i32
      %dma_start3A_70 = tpu.memref_slice %arg3[%mul3A_2, %dma_start3A_69] : memref<5120x64xi32, #tpu.memory_space<hbm>> -> memref<160x64xi32, #tpu.memory_space<hbm>>
      %dma_start3A_71 = arith.constant 0 : i32
      %dma_start3A_72 = tpu.memref_slice %arg3[%mul3A_2, %dma_start3A_71] : memref<5120x64xi32, #tpu.memory_space<hbm>> -> memref<160x64xi32, #tpu.memory_space<hbm>>
      tpu.enqueue_dma source(%dma_start3A_72 : memref<160x64xi32, #tpu.memory_space<hbm>>) target(%arg10 : memref<160x64xi32, #tpu.memory_space<vmem>>) target_semaphore(%run_scoped3A_68 : memref<!tpu.dma_semaphore, #tpu.memory_space<semaphore_mem>>)
      %dma_wait3A_73 = arith.constant 0 : i32
      %dma_wait3A_74 = tpu.memref_slice %arg3[%mul3A_2, %dma_wait3A_73] : memref<5120x64xi32, #tpu.memory_space<hbm>> -> memref<160x64xi32, #tpu.memory_space<hbm>>
      %dma_wait3A_75 = arith.constant 0 : i32
      %dma_wait3A_76 = tpu.memref_slice %arg3[%mul3A_2, %dma_wait3A_75] : memref<5120x64xi32, #tpu.memory_space<hbm>> -> memref<160x64xi32, #tpu.memory_space<hbm>>
      tpu.wait_dma2 semaphore(%run_scoped3A_68 : memref<!tpu.dma_semaphore, #tpu.memory_space<semaphore_mem>>) src(%dma_wait3A_76 : memref<160x64xi32, #tpu.memory_space<hbm>>) dst(%arg10 : memref<160x64xi32, #tpu.memory_space<vmem>>)
      tpu.yield
    }) : () -> ()
    %mul3A_3 = arith.constant 160 : i32
    %mul3A_4 = arith.muli %add3A, %mul3A_3 : i32
    "tpu.region"() ({
      %run_scoped3A_68 = tpu.sem_alloc : memref<!tpu.dma_semaphore, #tpu.memory_space<semaphore_mem>>
      %dma_start3A_69 = arith.constant 0 : i32
      %dma_start3A_70 = tpu.memref_slice %arg4[%mul3A_4, %dma_start3A_69] : memref<5120x64xi32, #tpu.memory_space<hbm>> -> memref<160x64xi32, #tpu.memory_space<hbm>>
      %dma_start3A_71 = arith.constant 0 : i32
      %dma_start3A_72 = tpu.memref_slice %arg4[%mul3A_4, %dma_start3A_71] : memref<5120x64xi32, #tpu.memory_space<hbm>> -> memref<160x64xi32, #tpu.memory_space<hbm>>
      tpu.enqueue_dma source(%dma_start3A_72 : memref<160x64xi32, #tpu.memory_space<hbm>>) target(%arg11 : memref<160x64xi32, #tpu.memory_space<vmem>>) target_semaphore(%run_scoped3A_68 : memref<!tpu.dma_semaphore, #tpu.memory_space<semaphore_mem>>)
      %dma_wait3A_73 = arith.constant 0 : i32
      %dma_wait3A_74 = tpu.memref_slice %arg4[%mul3A_4, %dma_wait3A_73] : memref<5120x64xi32, #tpu.memory_space<hbm>> -> memref<160x64xi32, #tpu.memory_space<hbm>>
      %dma_wait3A_75 = arith.constant 0 : i32
      %dma_wait3A_76 = tpu.memref_slice %arg4[%mul3A_4, %dma_wait3A_75] : memref<5120x64xi32, #tpu.memory_space<hbm>> -> memref<160x64xi32, #tpu.memory_space<hbm>>
      tpu.wait_dma2 semaphore(%run_scoped3A_68 : memref<!tpu.dma_semaphore, #tpu.memory_space<semaphore_mem>>) src(%dma_wait3A_76 : memref<160x64xi32, #tpu.memory_space<hbm>>) dst(%arg11 : memref<160x64xi32, #tpu.memory_space<vmem>>)
      tpu.yield
    }) : () -> ()
    "tpu.region"() ({
      %run_scoped3A_68 = tpu.sem_alloc : memref<!tpu.dma_semaphore, #tpu.memory_space<semaphore_mem>>
      tpu.enqueue_dma source(%arg7 : memref<64xf32, #tpu.memory_space<hbm>>) target(%arg14 : memref<64xf32, #tpu.memory_space<vmem>>) target_semaphore(%run_scoped3A_68 : memref<!tpu.dma_semaphore, #tpu.memory_space<semaphore_mem>>)
      tpu.wait_dma2 semaphore(%run_scoped3A_68 : memref<!tpu.dma_semaphore, #tpu.memory_space<semaphore_mem>>) src(%arg7 : memref<64xf32, #tpu.memory_space<hbm>>) dst(%arg14 : memref<64xf32, #tpu.memory_space<vmem>>)
      tpu.yield
    }) : () -> ()
    %mul3A_5 = arith.constant 640 : i32
    %mul3A_6 = arith.muli %arg1, %mul3A_5 : i32
    "tpu.region"() ({
      %run_scoped3A_68 = tpu.sem_alloc : memref<!tpu.dma_semaphore, #tpu.memory_space<semaphore_mem>>
      %dma_start3A_69 = arith.constant 0 : i32
      %dma_start3A_70 = tpu.memref_slice %arg15[%mul3A_6, %dma_start3A_69] : memref<10240x128xf32, #tpu.memory_space<vmem_shared>> -> memref<640x128xf32, #tpu.memory_space<vmem_shared>>
      tpu.enqueue_dma source(%arg5 : memref<640x128xf32, #tpu.memory_space<hbm>>) target(%dma_start3A_70 : memref<640x128xf32, #tpu.memory_space<vmem_shared>>) target_semaphore(%run_scoped3A_68 : memref<!tpu.dma_semaphore, #tpu.memory_space<semaphore_mem>>)
      %dma_wait3A_71 = arith.constant 0 : i32
      %dma_wait3A_72 = tpu.memref_slice %arg15[%mul3A_6, %dma_wait3A_71] : memref<10240x128xf32, #tpu.memory_space<vmem_shared>> -> memref<640x128xf32, #tpu.memory_space<vmem_shared>>
      tpu.wait_dma2 semaphore(%run_scoped3A_68 : memref<!tpu.dma_semaphore, #tpu.memory_space<semaphore_mem>>) src(%arg5 : memref<640x128xf32, #tpu.memory_space<hbm>>) dst(%dma_wait3A_72 : memref<640x128xf32, #tpu.memory_space<vmem_shared>>)
      tpu.yield
    }) : () -> ()
    "tpu.region"() ({
      %run_scoped3A_68 = tpu.sem_alloc : memref<!tpu.dma_semaphore, #tpu.memory_space<semaphore_mem>>
      %dma_start3A_69 = tpu.memref_slice %arg16[%mul3A_6] : memref<10240xf32, #tpu.memory_space<vmem_shared>> -> memref<640xf32, #tpu.memory_space<vmem_shared>>
      tpu.enqueue_dma source(%arg6 : memref<640xf32, #tpu.memory_space<hbm>>) target(%dma_start3A_69 : memref<640xf32, #tpu.memory_space<vmem_shared>>) target_semaphore(%run_scoped3A_68 : memref<!tpu.dma_semaphore, #tpu.memory_space<semaphore_mem>>)
      %dma_wait3A_70 = tpu.memref_slice %arg16[%mul3A_6] : memref<10240xf32, #tpu.memory_space<vmem_shared>> -> memref<640xf32, #tpu.memory_space<vmem_shared>>
      tpu.wait_dma2 semaphore(%run_scoped3A_68 : memref<!tpu.dma_semaphore, #tpu.memory_space<semaphore_mem>>) src(%arg6 : memref<640xf32, #tpu.memory_space<hbm>>) dst(%dma_wait3A_70 : memref<640xf32, #tpu.memory_space<vmem_shared>>)
      tpu.yield
    }) : () -> ()
    %barrier3A = arith.constant 0 : index
    tpu.barrier barrier_id(%barrier3A)
    %dma_start3A = arith.constant 0 : i32
    %dma_start3A_7 = arith.constant 0 : i32
    %dma_start3A_8 = tpu.memref_slice %arg10[%dma_start3A, %dma_start3A_7] : memref<160x64xi32, #tpu.memory_space<vmem>> -> memref<1x64xi32, #tpu.memory_space<vmem>>
    %dma_start3A_9 = tpu.memref_squeeze %dma_start3A_8 : memref<1x64xi32, #tpu.memory_space<vmem>> -> memref<64xi32, #tpu.memory_space<vmem>>
    %dma_start3A_10 = arith.constant 0 : i32
    %dma_start3A_11 = arith.constant 0 : i32
    %dma_start3A_12 = tpu.memref_slice %arg2[%dma_start3A_10, %dma_start3A_11] : memref<10000x128xf32, #tpu.memory_space<hbm>> -> memref<10000x128xf32, #tpu.memory_space<hbm>>
    tpu.enqueue_indirect_dma source(%dma_start3A_12 : memref<10000x128xf32, #tpu.memory_space<hbm>>) target(%arg12 : memref<64x128xf32, #tpu.memory_space<vmem>>) offsets(%dma_start3A_9 : memref<64xi32, #tpu.memory_space<vmem>>) semaphore(%arg17 : memref<!tpu.dma_semaphore, #tpu.memory_space<semaphore_mem>>)
    %dma_wait3A = arith.constant 0 : i32
    %dma_wait3A_13 = arith.constant 0 : i32
    %dma_wait3A_14 = tpu.memref_slice %arg10[%dma_wait3A, %dma_wait3A_13] : memref<160x64xi32, #tpu.memory_space<vmem>> -> memref<1x64xi32, #tpu.memory_space<vmem>>
    %dma_wait3A_15 = tpu.memref_squeeze %dma_wait3A_14 : memref<1x64xi32, #tpu.memory_space<vmem>> -> memref<64xi32, #tpu.memory_space<vmem>>
    %dma_wait3A_16 = arith.constant 0 : i32
    %dma_wait3A_17 = arith.constant 0 : i32
    %dma_wait3A_18 = tpu.memref_slice %arg2[%dma_wait3A_16, %dma_wait3A_17] : memref<10000x128xf32, #tpu.memory_space<hbm>> -> memref<10000x128xf32, #tpu.memory_space<hbm>>
    tpu.wait_indirect_dma semaphore(%arg17 : memref<!tpu.dma_semaphore, #tpu.memory_space<semaphore_mem>>) src(%dma_wait3A_18 : memref<10000x128xf32, #tpu.memory_space<hbm>>) dst(%arg12 : memref<64x128xf32, #tpu.memory_space<vmem>>)
    %dma_start3A_19 = arith.constant 0 : i32
    %dma_start3A_20 = arith.constant 0 : i32
    %dma_start3A_21 = tpu.memref_slice %arg11[%dma_start3A_19, %dma_start3A_20] : memref<160x64xi32, #tpu.memory_space<vmem>> -> memref<1x64xi32, #tpu.memory_space<vmem>>
    %dma_start3A_22 = tpu.memref_squeeze %dma_start3A_21 : memref<1x64xi32, #tpu.memory_space<vmem>> -> memref<64xi32, #tpu.memory_space<vmem>>
    %dma_start3A_23 = arith.constant 0 : i32
    %dma_start3A_24 = arith.constant 0 : i32
    %dma_start3A_25 = tpu.memref_slice %arg15[%dma_start3A_23, %dma_start3A_24] : memref<10240x128xf32, #tpu.memory_space<vmem_shared>> -> memref<10240x128xf32, #tpu.memory_space<vmem_shared>>
    tpu.enqueue_indirect_dma source(%arg12 : memref<64x128xf32, #tpu.memory_space<vmem>>) target(%dma_start3A_25 : memref<10240x128xf32, #tpu.memory_space<vmem_shared>>) offsets(%dma_start3A_22 : memref<64xi32, #tpu.memory_space<vmem>>) semaphore(%arg19 : memref<!tpu.dma_semaphore, #tpu.memory_space<semaphore_mem>>) {add = true}
    %dma_start3A_26 = arith.constant 1 : i32
    %dma_start3A_27 = arith.constant 0 : i32
    %dma_start3A_28 = tpu.memref_slice %arg10[%dma_start3A_26, %dma_start3A_27] : memref<160x64xi32, #tpu.memory_space<vmem>> -> memref<1x64xi32, #tpu.memory_space<vmem>>
    %dma_start3A_29 = tpu.memref_squeeze %dma_start3A_28 : memref<1x64xi32, #tpu.memory_space<vmem>> -> memref<64xi32, #tpu.memory_space<vmem>>
    %dma_start3A_30 = arith.constant 0 : i32
    %dma_start3A_31 = arith.constant 0 : i32
    %dma_start3A_32 = tpu.memref_slice %arg2[%dma_start3A_30, %dma_start3A_31] : memref<10000x128xf32, #tpu.memory_space<hbm>> -> memref<10000x128xf32, #tpu.memory_space<hbm>>
    tpu.enqueue_indirect_dma source(%dma_start3A_32 : memref<10000x128xf32, #tpu.memory_space<hbm>>) target(%arg13 : memref<64x128xf32, #tpu.memory_space<vmem>>) offsets(%dma_start3A_29 : memref<64xi32, #tpu.memory_space<vmem>>) semaphore(%arg18 : memref<!tpu.dma_semaphore, #tpu.memory_space<semaphore_mem>>)
    %scan3A = arith.constant 0 : i32
    %scan3A_33 = arith.constant 0 : i32
    %scan3A_34 = arith.constant 79 : i32
    %scan3A_35 = arith.addi %scan3A_33, %scan3A_34 : i32
    %scan3A_36 = arith.constant 1 : i32
    scf.for %scan3A_68 = %scan3A_33 to %scan3A_35 step %scan3A_36  : i32 {
      %mul3A_69 = arith.constant 2 : i32
      %mul3A_70 = arith.muli %mul3A_69, %scan3A_68 : i32
      %add3A_71 = arith.constant 1 : i32
      %add3A_72 = arith.addi %mul3A_70, %add3A_71 : i32
      %add3A_73 = arith.constant 0 : i32
      %add3A_74 = arith.addi %add3A_72, %add3A_73 : i32
      %sub3A = arith.constant 1 : i32
      %sub3A_75 = arith.subi %add3A_74, %sub3A : i32
      %dma_wait3A_76 = arith.constant 0 : i32
      %dma_wait3A_77 = tpu.memref_slice %arg11[%sub3A_75, %dma_wait3A_76] : memref<160x64xi32, #tpu.memory_space<vmem>> -> memref<1x64xi32, #tpu.memory_space<vmem>>
      %dma_wait3A_78 = tpu.memref_squeeze %dma_wait3A_77 : memref<1x64xi32, #tpu.memory_space<vmem>> -> memref<64xi32, #tpu.memory_space<vmem>>
      %dma_wait3A_79 = arith.constant 0 : i32
      %dma_wait3A_80 = arith.constant 0 : i32
      %dma_wait3A_81 = tpu.memref_slice %arg15[%dma_wait3A_79, %dma_wait3A_80] : memref<10240x128xf32, #tpu.memory_space<vmem_shared>> -> memref<10240x128xf32, #tpu.memory_space<vmem_shared>>
      tpu.wait_indirect_dma semaphore(%arg19 : memref<!tpu.dma_semaphore, #tpu.memory_space<semaphore_mem>>) src(%arg12 : memref<64x128xf32, #tpu.memory_space<vmem>>) dst(%dma_wait3A_81 : memref<10240x128xf32, #tpu.memory_space<vmem_shared>>)
      %add3A_82 = arith.constant 1 : i32
      %add3A_83 = arith.addi %add3A_74, %add3A_82 : i32
      %dma_start3A_84 = arith.constant 0 : i32
      %dma_start3A_85 = tpu.memref_slice %arg10[%add3A_83, %dma_start3A_84] : memref<160x64xi32, #tpu.memory_space<vmem>> -> memref<1x64xi32, #tpu.memory_space<vmem>>
      %dma_start3A_86 = tpu.memref_squeeze %dma_start3A_85 : memref<1x64xi32, #tpu.memory_space<vmem>> -> memref<64xi32, #tpu.memory_space<vmem>>
      %dma_start3A_87 = arith.constant 0 : i32
      %dma_start3A_88 = arith.constant 0 : i32
      %dma_start3A_89 = tpu.memref_slice %arg2[%dma_start3A_87, %dma_start3A_88] : memref<10000x128xf32, #tpu.memory_space<hbm>> -> memref<10000x128xf32, #tpu.memory_space<hbm>>
      tpu.enqueue_indirect_dma source(%dma_start3A_89 : memref<10000x128xf32, #tpu.memory_space<hbm>>) target(%arg12 : memref<64x128xf32, #tpu.memory_space<vmem>>) offsets(%dma_start3A_86 : memref<64xi32, #tpu.memory_space<vmem>>) semaphore(%arg17 : memref<!tpu.dma_semaphore, #tpu.memory_space<semaphore_mem>>)
      %dma_wait3A_90 = arith.constant 0 : i32
      %dma_wait3A_91 = tpu.memref_slice %arg10[%add3A_74, %dma_wait3A_90] : memref<160x64xi32, #tpu.memory_space<vmem>> -> memref<1x64xi32, #tpu.memory_space<vmem>>
      %dma_wait3A_92 = tpu.memref_squeeze %dma_wait3A_91 : memref<1x64xi32, #tpu.memory_space<vmem>> -> memref<64xi32, #tpu.memory_space<vmem>>
      %dma_wait3A_93 = arith.constant 0 : i32
      %dma_wait3A_94 = arith.constant 0 : i32
      %dma_wait3A_95 = tpu.memref_slice %arg2[%dma_wait3A_93, %dma_wait3A_94] : memref<10000x128xf32, #tpu.memory_space<hbm>> -> memref<10000x128xf32, #tpu.memory_space<hbm>>
      tpu.wait_indirect_dma semaphore(%arg18 : memref<!tpu.dma_semaphore, #tpu.memory_space<semaphore_mem>>) src(%dma_wait3A_95 : memref<10000x128xf32, #tpu.memory_space<hbm>>) dst(%arg13 : memref<64x128xf32, #tpu.memory_space<vmem>>)
      %dma_start3A_96 = arith.constant 0 : i32
      %dma_start3A_97 = tpu.memref_slice %arg11[%add3A_74, %dma_start3A_96] : memref<160x64xi32, #tpu.memory_space<vmem>> -> memref<1x64xi32, #tpu.memory_space<vmem>>
      %dma_start3A_98 = tpu.memref_squeeze %dma_start3A_97 : memref<1x64xi32, #tpu.memory_space<vmem>> -> memref<64xi32, #tpu.memory_space<vmem>>
      %dma_start3A_99 = arith.constant 0 : i32
      %dma_start3A_100 = arith.constant 0 : i32
      %dma_start3A_101 = tpu.memref_slice %arg15[%dma_start3A_99, %dma_start3A_100] : memref<10240x128xf32, #tpu.memory_space<vmem_shared>> -> memref<10240x128xf32, #tpu.memory_space<vmem_shared>>
      tpu.enqueue_indirect_dma source(%arg13 : memref<64x128xf32, #tpu.memory_space<vmem>>) target(%dma_start3A_101 : memref<10240x128xf32, #tpu.memory_space<vmem_shared>>) offsets(%dma_start3A_98 : memref<64xi32, #tpu.memory_space<vmem>>) semaphore(%arg20 : memref<!tpu.dma_semaphore, #tpu.memory_space<semaphore_mem>>) {add = true}
      %sub3A_102 = arith.constant 1 : i32
      %sub3A_103 = arith.subi %add3A_74, %sub3A_102 : i32
      "tpu.region"() ({
        %run_scoped3A_140 = tpu.sem_alloc : memref<!tpu.dma_semaphore, #tpu.memory_space<semaphore_mem>>
        %dma_start3A_141 = arith.constant 0 : i32
        %dma_start3A_142 = tpu.memref_slice %arg11[%sub3A_103, %dma_start3A_141] : memref<160x64xi32, #tpu.memory_space<vmem>> -> memref<1x64xi32, #tpu.memory_space<vmem>>
        %dma_start3A_143 = tpu.memref_squeeze %dma_start3A_142 : memref<1x64xi32, #tpu.memory_space<vmem>> -> memref<64xi32, #tpu.memory_space<vmem>>
        %dma_start3A_144 = arith.constant 0 : i32
        %dma_start3A_145 = tpu.memref_slice %arg16[%dma_start3A_144] : memref<10240xf32, #tpu.memory_space<vmem_shared>> -> memref<10240xf32, #tpu.memory_space<vmem_shared>>
        tpu.enqueue_indirect_dma source(%arg14 : memref<64xf32, #tpu.memory_space<vmem>>) target(%dma_start3A_145 : memref<10240xf32, #tpu.memory_space<vmem_shared>>) offsets(%dma_start3A_143 : memref<64xi32, #tpu.memory_space<vmem>>) semaphore(%run_scoped3A_140 : memref<!tpu.dma_semaphore, #tpu.memory_space<semaphore_mem>>) {add = true}
        %dma_wait3A_146 = arith.constant 0 : i32
        %dma_wait3A_147 = tpu.memref_slice %arg11[%sub3A_103, %dma_wait3A_146] : memref<160x64xi32, #tpu.memory_space<vmem>> -> memref<1x64xi32, #tpu.memory_space<vmem>>
        %dma_wait3A_148 = tpu.memref_squeeze %dma_wait3A_147 : memref<1x64xi32, #tpu.memory_space<vmem>> -> memref<64xi32, #tpu.memory_space<vmem>>
        %dma_wait3A_149 = arith.constant 0 : i32
        %dma_wait3A_150 = tpu.memref_slice %arg16[%dma_wait3A_149] : memref<10240xf32, #tpu.memory_space<vmem_shared>> -> memref<10240xf32, #tpu.memory_space<vmem_shared>>
        tpu.wait_indirect_dma semaphore(%run_scoped3A_140 : memref<!tpu.dma_semaphore, #tpu.memory_space<semaphore_mem>>) src(%arg14 : memref<64xf32, #tpu.memory_space<vmem>>) dst(%dma_wait3A_150 : memref<10240xf32, #tpu.memory_space<vmem_shared>>)
        tpu.yield
      }) : () -> ()
      %mul3A_104 = arith.constant 2 : i32
      %mul3A_105 = arith.muli %mul3A_104, %scan3A_68 : i32
      %add3A_106 = arith.constant 1 : i32
      %add3A_107 = arith.addi %mul3A_105, %add3A_106 : i32
      %add3A_108 = arith.constant 1 : i32
      %add3A_109 = arith.addi %add3A_107, %add3A_108 : i32
      %sub3A_110 = arith.constant 1 : i32
      %sub3A_111 = arith.subi %add3A_109, %sub3A_110 : i32
      %dma_wait3A_112 = arith.constant 0 : i32
      %dma_wait3A_113 = tpu.memref_slice %arg11[%sub3A_111, %dma_wait3A_112] : memref<160x64xi32, #tpu.memory_space<vmem>> -> memref<1x64xi32, #tpu.memory_space<vmem>>
      %dma_wait3A_114 = tpu.memref_squeeze %dma_wait3A_113 : memref<1x64xi32, #tpu.memory_space<vmem>> -> memref<64xi32, #tpu.memory_space<vmem>>
      %dma_wait3A_115 = arith.constant 0 : i32
      %dma_wait3A_116 = arith.constant 0 : i32
      %dma_wait3A_117 = tpu.memref_slice %arg15[%dma_wait3A_115, %dma_wait3A_116] : memref<10240x128xf32, #tpu.memory_space<vmem_shared>> -> memref<10240x128xf32, #tpu.memory_space<vmem_shared>>
      tpu.wait_indirect_dma semaphore(%arg20 : memref<!tpu.dma_semaphore, #tpu.memory_space<semaphore_mem>>) src(%arg13 : memref<64x128xf32, #tpu.memory_space<vmem>>) dst(%dma_wait3A_117 : memref<10240x128xf32, #tpu.memory_space<vmem_shared>>)
      %add3A_118 = arith.constant 1 : i32
      %add3A_119 = arith.addi %add3A_109, %add3A_118 : i32
      %dma_start3A_120 = arith.constant 0 : i32
      %dma_start3A_121 = tpu.memref_slice %arg10[%add3A_119, %dma_start3A_120] : memref<160x64xi32, #tpu.memory_space<vmem>> -> memref<1x64xi32, #tpu.memory_space<vmem>>
      %dma_start3A_122 = tpu.memref_squeeze %dma_start3A_121 : memref<1x64xi32, #tpu.memory_space<vmem>> -> memref<64xi32, #tpu.memory_space<vmem>>
      %dma_start3A_123 = arith.constant 0 : i32
      %dma_start3A_124 = arith.constant 0 : i32
      %dma_start3A_125 = tpu.memref_slice %arg2[%dma_start3A_123, %dma_start3A_124] : memref<10000x128xf32, #tpu.memory_space<hbm>> -> memref<10000x128xf32, #tpu.memory_space<hbm>>
      tpu.enqueue_indirect_dma source(%dma_start3A_125 : memref<10000x128xf32, #tpu.memory_space<hbm>>) target(%arg13 : memref<64x128xf32, #tpu.memory_space<vmem>>) offsets(%dma_start3A_122 : memref<64xi32, #tpu.memory_space<vmem>>) semaphore(%arg18 : memref<!tpu.dma_semaphore, #tpu.memory_space<semaphore_mem>>)
      %dma_wait3A_126 = arith.constant 0 : i32
      %dma_wait3A_127 = tpu.memref_slice %arg10[%add3A_109, %dma_wait3A_126] : memref<160x64xi32, #tpu.memory_space<vmem>> -> memref<1x64xi32, #tpu.memory_space<vmem>>
      %dma_wait3A_128 = tpu.memref_squeeze %dma_wait3A_127 : memref<1x64xi32, #tpu.memory_space<vmem>> -> memref<64xi32, #tpu.memory_space<vmem>>
      %dma_wait3A_129 = arith.constant 0 : i32
      %dma_wait3A_130 = arith.constant 0 : i32
      %dma_wait3A_131 = tpu.memref_slice %arg2[%dma_wait3A_129, %dma_wait3A_130] : memref<10000x128xf32, #tpu.memory_space<hbm>> -> memref<10000x128xf32, #tpu.memory_space<hbm>>
      tpu.wait_indirect_dma semaphore(%arg17 : memref<!tpu.dma_semaphore, #tpu.memory_space<semaphore_mem>>) src(%dma_wait3A_131 : memref<10000x128xf32, #tpu.memory_space<hbm>>) dst(%arg12 : memref<64x128xf32, #tpu.memory_space<vmem>>)
      %dma_start3A_132 = arith.constant 0 : i32
      %dma_start3A_133 = tpu.memref_slice %arg11[%add3A_109, %dma_start3A_132] : memref<160x64xi32, #tpu.memory_space<vmem>> -> memref<1x64xi32, #tpu.memory_space<vmem>>
      %dma_start3A_134 = tpu.memref_squeeze %dma_start3A_133 : memref<1x64xi32, #tpu.memory_space<vmem>> -> memref<64xi32, #tpu.memory_space<vmem>>
      %dma_start3A_135 = arith.constant 0 : i32
      %dma_start3A_136 = arith.constant 0 : i32
      %dma_start3A_137 = tpu.memref_slice %arg15[%dma_start3A_135, %dma_start3A_136] : memref<10240x128xf32, #tpu.memory_space<vmem_shared>> -> memref<10240x128xf32, #tpu.memory_space<vmem_shared>>
      tpu.enqueue_indirect_dma source(%arg12 : memref<64x128xf32, #tpu.memory_space<vmem>>) target(%dma_start3A_137 : memref<10240x128xf32, #tpu.memory_space<vmem_shared>>) offsets(%dma_start3A_134 : memref<64xi32, #tpu.memory_space<vmem>>) semaphore(%arg19 : memref<!tpu.dma_semaphore, #tpu.memory_space<semaphore_mem>>) {add = true}
      %sub3A_138 = arith.constant 1 : i32
      %sub3A_139 = arith.subi %add3A_109, %sub3A_138 : i32
      "tpu.region"() ({
        %run_scoped3A_140 = tpu.sem_alloc : memref<!tpu.dma_semaphore, #tpu.memory_space<semaphore_mem>>
        %dma_start3A_141 = arith.constant 0 : i32
        %dma_start3A_142 = tpu.memref_slice %arg11[%sub3A_139, %dma_start3A_141] : memref<160x64xi32, #tpu.memory_space<vmem>> -> memref<1x64xi32, #tpu.memory_space<vmem>>
        %dma_start3A_143 = tpu.memref_squeeze %dma_start3A_142 : memref<1x64xi32, #tpu.memory_space<vmem>> -> memref<64xi32, #tpu.memory_space<vmem>>
        %dma_start3A_144 = arith.constant 0 : i32
        %dma_start3A_145 = tpu.memref_slice %arg16[%dma_start3A_144] : memref<10240xf32, #tpu.memory_space<vmem_shared>> -> memref<10240xf32, #tpu.memory_space<vmem_shared>>
        tpu.enqueue_indirect_dma source(%arg14 : memref<64xf32, #tpu.memory_space<vmem>>) target(%dma_start3A_145 : memref<10240xf32, #tpu.memory_space<vmem_shared>>) offsets(%dma_start3A_143 : memref<64xi32, #tpu.memory_space<vmem>>) semaphore(%run_scoped3A_140 : memref<!tpu.dma_semaphore, #tpu.memory_space<semaphore_mem>>) {add = true}
        %dma_wait3A_146 = arith.constant 0 : i32
        %dma_wait3A_147 = tpu.memref_slice %arg11[%sub3A_139, %dma_wait3A_146] : memref<160x64xi32, #tpu.memory_space<vmem>> -> memref<1x64xi32, #tpu.memory_space<vmem>>
        %dma_wait3A_148 = tpu.memref_squeeze %dma_wait3A_147 : memref<1x64xi32, #tpu.memory_space<vmem>> -> memref<64xi32, #tpu.memory_space<vmem>>
        %dma_wait3A_149 = arith.constant 0 : i32
        %dma_wait3A_150 = tpu.memref_slice %arg16[%dma_wait3A_149] : memref<10240xf32, #tpu.memory_space<vmem_shared>> -> memref<10240xf32, #tpu.memory_space<vmem_shared>>
        tpu.wait_indirect_dma semaphore(%run_scoped3A_140 : memref<!tpu.dma_semaphore, #tpu.memory_space<semaphore_mem>>) src(%arg14 : memref<64xf32, #tpu.memory_space<vmem>>) dst(%dma_wait3A_150 : memref<10240xf32, #tpu.memory_space<vmem_shared>>)
        tpu.yield
      }) : () -> ()
    }
    %scan3A_37 = arith.constant 79 : i32
    %dma_wait3A_38 = arith.constant 158 : i32
    %dma_wait3A_39 = arith.constant 0 : i32
    %dma_wait3A_40 = tpu.memref_slice %arg11[%dma_wait3A_38, %dma_wait3A_39] : memref<160x64xi32, #tpu.memory_space<vmem>> -> memref<1x64xi32, #tpu.memory_space<vmem>>
    %dma_wait3A_41 = tpu.memref_squeeze %dma_wait3A_40 : memref<1x64xi32, #tpu.memory_space<vmem>> -> memref<64xi32, #tpu.memory_space<vmem>>
    %dma_wait3A_42 = arith.constant 0 : i32
    %dma_wait3A_43 = arith.constant 0 : i32
    %dma_wait3A_44 = tpu.memref_slice %arg15[%dma_wait3A_42, %dma_wait3A_43] : memref<10240x128xf32, #tpu.memory_space<vmem_shared>> -> memref<10240x128xf32, #tpu.memory_space<vmem_shared>>
    tpu.wait_indirect_dma semaphore(%arg19 : memref<!tpu.dma_semaphore, #tpu.memory_space<semaphore_mem>>) src(%arg12 : memref<64x128xf32, #tpu.memory_space<vmem>>) dst(%dma_wait3A_44 : memref<10240x128xf32, #tpu.memory_space<vmem_shared>>)
    %dma_wait3A_45 = arith.constant 159 : i32
    %dma_wait3A_46 = arith.constant 0 : i32
    %dma_wait3A_47 = tpu.memref_slice %arg10[%dma_wait3A_45, %dma_wait3A_46] : memref<160x64xi32, #tpu.memory_space<vmem>> -> memref<1x64xi32, #tpu.memory_space<vmem>>
    %dma_wait3A_48 = tpu.memref_squeeze %dma_wait3A_47 : memref<1x64xi32, #tpu.memory_space<vmem>> -> memref<64xi32, #tpu.memory_space<vmem>>
    %dma_wait3A_49 = arith.constant 0 : i32
    %dma_wait3A_50 = arith.constant 0 : i32
    %dma_wait3A_51 = tpu.memref_slice %arg2[%dma_wait3A_49, %dma_wait3A_50] : memref<10000x128xf32, #tpu.memory_space<hbm>> -> memref<10000x128xf32, #tpu.memory_space<hbm>>
    tpu.wait_indirect_dma semaphore(%arg18 : memref<!tpu.dma_semaphore, #tpu.memory_space<semaphore_mem>>) src(%dma_wait3A_51 : memref<10000x128xf32, #tpu.memory_space<hbm>>) dst(%arg13 : memref<64x128xf32, #tpu.memory_space<vmem>>)
    %dma_start3A_52 = arith.constant 159 : i32
    %dma_start3A_53 = arith.constant 0 : i32
    %dma_start3A_54 = tpu.memref_slice %arg11[%dma_start3A_52, %dma_start3A_53] : memref<160x64xi32, #tpu.memory_space<vmem>> -> memref<1x64xi32, #tpu.memory_space<vmem>>
    %dma_start3A_55 = tpu.memref_squeeze %dma_start3A_54 : memref<1x64xi32, #tpu.memory_space<vmem>> -> memref<64xi32, #tpu.memory_space<vmem>>
    %dma_start3A_56 = arith.constant 0 : i32
    %dma_start3A_57 = arith.constant 0 : i32
    %dma_start3A_58 = tpu.memref_slice %arg15[%dma_start3A_56, %dma_start3A_57] : memref<10240x128xf32, #tpu.memory_space<vmem_shared>> -> memref<10240x128xf32, #tpu.memory_space<vmem_shared>>
    tpu.enqueue_indirect_dma source(%arg13 : memref<64x128xf32, #tpu.memory_space<vmem>>) target(%dma_start3A_58 : memref<10240x128xf32, #tpu.memory_space<vmem_shared>>) offsets(%dma_start3A_55 : memref<64xi32, #tpu.memory_space<vmem>>) semaphore(%arg20 : memref<!tpu.dma_semaphore, #tpu.memory_space<semaphore_mem>>) {add = true}
    %dma_wait3A_59 = arith.constant 159 : i32
    %dma_wait3A_60 = arith.constant 0 : i32
    %dma_wait3A_61 = tpu.memref_slice %arg11[%dma_wait3A_59, %dma_wait3A_60] : memref<160x64xi32, #tpu.memory_space<vmem>> -> memref<1x64xi32, #tpu.memory_space<vmem>>
    %dma_wait3A_62 = tpu.memref_squeeze %dma_wait3A_61 : memref<1x64xi32, #tpu.memory_space<vmem>> -> memref<64xi32, #tpu.memory_space<vmem>>
    %dma_wait3A_63 = arith.constant 0 : i32
    %dma_wait3A_64 = arith.constant 0 : i32
    %dma_wait3A_65 = tpu.memref_slice %arg15[%dma_wait3A_63, %dma_wait3A_64] : memref<10240x128xf32, #tpu.memory_space<vmem_shared>> -> memref<10240x128xf32, #tpu.memory_space<vmem_shared>>
    tpu.wait_indirect_dma semaphore(%arg20 : memref<!tpu.dma_semaphore, #tpu.memory_space<semaphore_mem>>) src(%arg13 : memref<64x128xf32, #tpu.memory_space<vmem>>) dst(%dma_wait3A_65 : memref<10240x128xf32, #tpu.memory_space<vmem_shared>>)
    %run_scoped3A = arith.constant 158 : i32
    "tpu.region"() ({
      %run_scoped3A_68 = tpu.sem_alloc : memref<!tpu.dma_semaphore, #tpu.memory_space<semaphore_mem>>
      %dma_start3A_69 = arith.constant 0 : i32
      %dma_start3A_70 = tpu.memref_slice %arg11[%run_scoped3A, %dma_start3A_69] : memref<160x64xi32, #tpu.memory_space<vmem>> -> memref<1x64xi32, #tpu.memory_space<vmem>>
      %dma_start3A_71 = tpu.memref_squeeze %dma_start3A_70 : memref<1x64xi32, #tpu.memory_space<vmem>> -> memref<64xi32, #tpu.memory_space<vmem>>
      %dma_start3A_72 = arith.constant 0 : i32
      %dma_start3A_73 = tpu.memref_slice %arg16[%dma_start3A_72] : memref<10240xf32, #tpu.memory_space<vmem_shared>> -> memref<10240xf32, #tpu.memory_space<vmem_shared>>
      tpu.enqueue_indirect_dma source(%arg14 : memref<64xf32, #tpu.memory_space<vmem>>) target(%dma_start3A_73 : memref<10240xf32, #tpu.memory_space<vmem_shared>>) offsets(%dma_start3A_71 : memref<64xi32, #tpu.memory_space<vmem>>) semaphore(%run_scoped3A_68 : memref<!tpu.dma_semaphore, #tpu.memory_space<semaphore_mem>>) {add = true}
      %dma_wait3A_74 = arith.constant 0 : i32
      %dma_wait3A_75 = tpu.memref_slice %arg11[%run_scoped3A, %dma_wait3A_74] : memref<160x64xi32, #tpu.memory_space<vmem>> -> memref<1x64xi32, #tpu.memory_space<vmem>>
      %dma_wait3A_76 = tpu.memref_squeeze %dma_wait3A_75 : memref<1x64xi32, #tpu.memory_space<vmem>> -> memref<64xi32, #tpu.memory_space<vmem>>
      %dma_wait3A_77 = arith.constant 0 : i32
      %dma_wait3A_78 = tpu.memref_slice %arg16[%dma_wait3A_77] : memref<10240xf32, #tpu.memory_space<vmem_shared>> -> memref<10240xf32, #tpu.memory_space<vmem_shared>>
      tpu.wait_indirect_dma semaphore(%run_scoped3A_68 : memref<!tpu.dma_semaphore, #tpu.memory_space<semaphore_mem>>) src(%arg14 : memref<64xf32, #tpu.memory_space<vmem>>) dst(%dma_wait3A_78 : memref<10240xf32, #tpu.memory_space<vmem_shared>>)
      tpu.yield
    }) : () -> ()
    %run_scoped3A_66 = arith.constant 159 : i32
    "tpu.region"() ({
      %run_scoped3A_68 = tpu.sem_alloc : memref<!tpu.dma_semaphore, #tpu.memory_space<semaphore_mem>>
      %dma_start3A_69 = arith.constant 0 : i32
      %dma_start3A_70 = tpu.memref_slice %arg11[%run_scoped3A_66, %dma_start3A_69] : memref<160x64xi32, #tpu.memory_space<vmem>> -> memref<1x64xi32, #tpu.memory_space<vmem>>
      %dma_start3A_71 = tpu.memref_squeeze %dma_start3A_70 : memref<1x64xi32, #tpu.memory_space<vmem>> -> memref<64xi32, #tpu.memory_space<vmem>>
      %dma_start3A_72 = arith.constant 0 : i32
      %dma_start3A_73 = tpu.memref_slice %arg16[%dma_start3A_72] : memref<10240xf32, #tpu.memory_space<vmem_shared>> -> memref<10240xf32, #tpu.memory_space<vmem_shared>>
      tpu.enqueue_indirect_dma source(%arg14 : memref<64xf32, #tpu.memory_space<vmem>>) target(%dma_start3A_73 : memref<10240xf32, #tpu.memory_space<vmem_shared>>) offsets(%dma_start3A_71 : memref<64xi32, #tpu.memory_space<vmem>>) semaphore(%run_scoped3A_68 : memref<!tpu.dma_semaphore, #tpu.memory_space<semaphore_mem>>) {add = true}
      %dma_wait3A_74 = arith.constant 0 : i32
      %dma_wait3A_75 = tpu.memref_slice %arg11[%run_scoped3A_66, %dma_wait3A_74] : memref<160x64xi32, #tpu.memory_space<vmem>> -> memref<1x64xi32, #tpu.memory_space<vmem>>
      %dma_wait3A_76 = tpu.memref_squeeze %dma_wait3A_75 : memref<1x64xi32, #tpu.memory_space<vmem>> -> memref<64xi32, #tpu.memory_space<vmem>>
      %dma_wait3A_77 = arith.constant 0 : i32
      %dma_wait3A_78 = tpu.memref_slice %arg16[%dma_wait3A_77] : memref<10240xf32, #tpu.memory_space<vmem_shared>> -> memref<10240xf32, #tpu.memory_space<vmem_shared>>
      tpu.wait_indirect_dma semaphore(%run_scoped3A_68 : memref<!tpu.dma_semaphore, #tpu.memory_space<semaphore_mem>>) src(%arg14 : memref<64xf32, #tpu.memory_space<vmem>>) dst(%dma_wait3A_78 : memref<10240xf32, #tpu.memory_space<vmem_shared>>)
      tpu.yield
    }) : () -> ()
    %barrier3A_67 = arith.constant 0 : index
    tpu.barrier barrier_id(%barrier3A_67)
    "tpu.region"() ({
      %run_scoped3A_68 = tpu.sem_alloc : memref<!tpu.dma_semaphore, #tpu.memory_space<semaphore_mem>>
      %dma_start3A_69 = arith.constant 0 : i32
      %dma_start3A_70 = arith.constant 0 : i32
      %dma_start3A_71 = tpu.memref_slice %arg8[%arg0, %dma_start3A_69, %dma_start3A_70] : memref<2x10240x128xf32, #tpu.memory_space<hbm>> -> memref<1x10240x128xf32, #tpu.memory_space<hbm>>
      %dma_start3A_72 = tpu.memref_squeeze %dma_start3A_71 : memref<1x10240x128xf32, #tpu.memory_space<hbm>> -> memref<10240x128xf32, #tpu.memory_space<hbm>>
      %dma_start3A_73 = arith.constant 0 : i32
      %dma_start3A_74 = tpu.memref_slice %dma_start3A_72[%mul3A_6, %dma_start3A_73] : memref<10240x128xf32, #tpu.memory_space<hbm>> -> memref<640x128xf32, #tpu.memory_space<hbm>>
      %dma_start3A_75 = arith.constant 0 : i32
      %dma_start3A_76 = tpu.memref_slice %arg15[%mul3A_6, %dma_start3A_75] : memref<10240x128xf32, #tpu.memory_space<vmem_shared>> -> memref<640x128xf32, #tpu.memory_space<vmem_shared>>
      tpu.enqueue_dma source(%dma_start3A_76 : memref<640x128xf32, #tpu.memory_space<vmem_shared>>) target(%dma_start3A_74 : memref<640x128xf32, #tpu.memory_space<hbm>>) target_semaphore(%run_scoped3A_68 : memref<!tpu.dma_semaphore, #tpu.memory_space<semaphore_mem>>)
      %dma_wait3A_77 = arith.constant 0 : i32
      %dma_wait3A_78 = arith.constant 0 : i32
      %dma_wait3A_79 = tpu.memref_slice %arg8[%arg0, %dma_wait3A_77, %dma_wait3A_78] : memref<2x10240x128xf32, #tpu.memory_space<hbm>> -> memref<1x10240x128xf32, #tpu.memory_space<hbm>>
      %dma_wait3A_80 = tpu.memref_squeeze %dma_wait3A_79 : memref<1x10240x128xf32, #tpu.memory_space<hbm>> -> memref<10240x128xf32, #tpu.memory_space<hbm>>
      %dma_wait3A_81 = arith.constant 0 : i32
      %dma_wait3A_82 = tpu.memref_slice %dma_wait3A_80[%mul3A_6, %dma_wait3A_81] : memref<10240x128xf32, #tpu.memory_space<hbm>> -> memref<640x128xf32, #tpu.memory_space<hbm>>
      %dma_wait3A_83 = arith.constant 0 : i32
      %dma_wait3A_84 = tpu.memref_slice %arg15[%mul3A_6, %dma_wait3A_83] : memref<10240x128xf32, #tpu.memory_space<vmem_shared>> -> memref<640x128xf32, #tpu.memory_space<vmem_shared>>
      tpu.wait_dma2 semaphore(%run_scoped3A_68 : memref<!tpu.dma_semaphore, #tpu.memory_space<semaphore_mem>>) src(%dma_wait3A_84 : memref<640x128xf32, #tpu.memory_space<vmem_shared>>) dst(%dma_wait3A_82 : memref<640x128xf32, #tpu.memory_space<hbm>>)
      tpu.yield
    }) : () -> ()
    "tpu.region"() ({
      %run_scoped3A_68 = tpu.sem_alloc : memref<!tpu.dma_semaphore, #tpu.memory_space<semaphore_mem>>
      %dma_start3A_69 = arith.constant 0 : i32
      %dma_start3A_70 = tpu.memref_slice %arg9[%arg0, %dma_start3A_69] : memref<2x10240xf32, #tpu.memory_space<hbm>> -> memref<1x10240xf32, #tpu.memory_space<hbm>>
      %dma_start3A_71 = tpu.memref_squeeze %dma_start3A_70 : memref<1x10240xf32, #tpu.memory_space<hbm>> -> memref<10240xf32, #tpu.memory_space<hbm>>
      %dma_start3A_72 = tpu.memref_slice %dma_start3A_71[%mul3A_6] : memref<10240xf32, #tpu.memory_space<hbm>> -> memref<640xf32, #tpu.memory_space<hbm>>
      %dma_start3A_73 = tpu.memref_slice %arg16[%mul3A_6] : memref<10240xf32, #tpu.memory_space<vmem_shared>> -> memref<640xf32, #tpu.memory_space<vmem_shared>>
      tpu.enqueue_dma source(%dma_start3A_73 : memref<640xf32, #tpu.memory_space<vmem_shared>>) target(%dma_start3A_72 : memref<640xf32, #tpu.memory_space<hbm>>) target_semaphore(%run_scoped3A_68 : memref<!tpu.dma_semaphore, #tpu.memory_space<semaphore_mem>>)
      %dma_wait3A_74 = arith.constant 0 : i32
      %dma_wait3A_75 = tpu.memref_slice %arg9[%arg0, %dma_wait3A_74] : memref<2x10240xf32, #tpu.memory_space<hbm>> -> memref<1x10240xf32, #tpu.memory_space<hbm>>
      %dma_wait3A_76 = tpu.memref_squeeze %dma_wait3A_75 : memref<1x10240xf32, #tpu.memory_space<hbm>> -> memref<10240xf32, #tpu.memory_space<hbm>>
      %dma_wait3A_77 = tpu.memref_slice %dma_wait3A_76[%mul3A_6] : memref<10240xf32, #tpu.memory_space<hbm>> -> memref<640xf32, #tpu.memory_space<hbm>>
      %dma_wait3A_78 = tpu.memref_slice %arg16[%mul3A_6] : memref<10240xf32, #tpu.memory_space<vmem_shared>> -> memref<640xf32, #tpu.memory_space<vmem_shared>>
      tpu.wait_dma2 semaphore(%run_scoped3A_68 : memref<!tpu.dma_semaphore, #tpu.memory_space<semaphore_mem>>) src(%dma_wait3A_78 : memref<640xf32, #tpu.memory_space<vmem_shared>>) dst(%dma_wait3A_77 : memref<640xf32, #tpu.memory_space<hbm>>)
      tpu.yield
    }) : () -> ()
    return
  }
}

</mosaic_0001>

<sc_bundles>
// kernel: _sc_aggregate.3.cloned.1.call-start
scs
__scs_entry_jumppad:
0x0: {  	(pc) =	sbr.rel $0x88, $3  }
0x1: {  	(tag) =	ssettag $0x0;
	lr =	simm.s32 $0x1  }
0x2: {  	[smem:$0x3F9E] =	sst lr;
	_ =	strace $0xD0000000  }
0x3: {  	_ = 	snop  }
0x4: {  	_ = 	snop  }
0x5: {  	_ = 	snop  }
0x6: {  	_ = 	snop  }
0x7: {  	_ = 	snop  }
__scs_overlays_trampoline_lowered:
0x8: {  	[smem:$0x3FAD] =	sst s0  }
0x9: {  	[smem:$0x3FAE] =	sst s1  }
0xa: {  	[smem:$0x3FAF] =	sst s2  }
0xb: {  	[smem:$0x3FB0] =	sst s3  }
0xc: {  	[smem:$0x3FB1] =	sst s4  }
0xd: {  	[smem:$0x3FB2] =	sst s5  }
0xe: {  	[smem:$0x3FB3] =	sst s6  }
0xf: {  	[smem:$0x3FB4] =	sst s7  }
0x10: {  	[smem:$0x3FB5] =	sst s8  }
0x11: {  	[smem:$0x3FB6] =	sst s9;
	s0 =	simm.s32 @!p0 $0x0  }
0x12: {  	s1 =	sld [smem:$0x3F9C];
	s0 =	simm.s32 @p0 $0x1  }
0x13: {  	[smem:$0x3FB7] =	sst s0;
	s0 =	simm.s32 @!p1 $0x0  }
0x14: {  	s2 =	sld [smem:$0x3F9B];
	s0 =	simm.s32 @p1 $0x1  }
0x15: {  	[smem:$0x3FB8] =	sst s0;
	s0 =	simm.s32 @!p2 $0x0  }
0x16: {  	s3 =	sld [smem:$0x3FDB];
	s0 =	simm.s32 @p2 $0x1  }
0x17: {  	s4 =	simm.s32 $0x1BF5;
	[smem:$0x3FBA] =	sst s0  }
0x18: {  	s0 =	sld [smem:$0x3F9D];
	_ =	swait.ge [sflag:s4], $0x0  }
0x19: {  	s7 =	sld [smem:$0x3F9E]  }
0x1a: {  	s8 =	sadd.s32 $0xFFFFE003, lr  }
0x1b: {  	s9 =	sadd.s32 $0xFFFFFEF7, lr;
	s5 =	simm.s32 $0xFFFFFFFF;
	p2 =	slt.u32 s8, $0xFFFFF086  }
0x1c: {  	p1 =	slt.u32 s9, $0xF7A;
	s5 =	simm.s32 @!p2 $0x0  }
0x1d: {  	s5 =	simm.s32 @p1 $0x1;
	p0 =	seq.s32 s7, s2  }
0x1e: {  	s7 =	smul.u32 @!p0 $0xF7A, s2;
	p2 =	seq.s32 @!p0 s5, $0x0  }
0x1f: {  	s9 =	smul.u32 $0xF7A, s1;
	s8 =	simm.s32 @!p0 $0x1BF5;
	p2 =	por !p2, p0  }
0x20: {  	[sflag:s8] =	ssyncset.s32 @!p0 $0xFFFFF086;
	s6 =	sadd.s32 @!p0 s3, s7;
	s7 =	simm.s32 @!p0 $0x108  }
0x21: {  	s3 =	sadd.s32 s3, s9;
	s6 =	sadd.s32 @!p0 $0x88, s6;
	s7 =	simm.s32 @p2 $0x1082  }
0x22: {  	[simem:s7], [sflag:s8] =	dma.local @!p0 [hbm:s6], $0xF7A  }
0x23: {  	s9 =	sor.u32 $0xD0000000, s2;
	s6 =	simm.s32 $0x108;
	_ =	swait.ge @!p0 [sflag:s8], $0x0  }
0x24: {  	s3 =	sadd.s32 $0x88, s3;
	s6 =	simm.s32 @!p1 $0x1082;
	[sflag:s4] =	ssyncset.s32 $0xFFFFF086  }
0x25: {  	[simem:s6], [sflag:s4] =	dma.local [hbm:s3], $0xF7A  }
0x26: {  	[smem:$0x3F9E] =	sst s1;
	(tag) =	ssettag s2;
	_ =	strace s9  }
0x27: {  	s1 =	sld [smem:$0x3FAE]  }
0x28: {  	s2 =	sld [smem:$0x3FAF]  }
0x29: {  	s4 =	sld [smem:$0x3FB1]  }
0x2a: {  	p0 =	seq.s32 s5, $0x0;
	s5 =	sld [smem:$0x3FB2]  }
0x2b: {  	s6 =	sld [smem:$0x3FB3]  }
0x2c: {  	s7 =	sld [smem:$0x3FB4]  }
0x2d: {  	s3 =	simm.s32 $0x108;
	s8 =	sld [smem:$0x3FB5]  }
0x2e: {  	s3 =	simm.s32 @!p0 $0x1082;
	s9 =	sld [smem:$0x3FB6]  }
0x2f: {  	lr =	sadd.s32 s0, s3;
	s0 =	sld [smem:$0x3FAD]  }
0x30: {  	s3 =	sld [smem:$0x3FB0]  }
0x31: {  	[smem:$0x3FB9] =	sst s10  }
0x32: {  	s10 =	sld [smem:$0x3FB7];
	_ =	sdelay $0x3  }
0x33: {  	p0 =	seq.s32 s10, $0x1;
	s10 =	sld [smem:$0x3FB9];
	_ =	sdelay $0x3  }
0x34: {  	[smem:$0x3FB9] =	sst s10  }
0x35: {  	s10 =	sld [smem:$0x3FB8];
	_ =	sdelay $0x3  }
0x36: {  	p1 =	seq.s32 s10, $0x1;
	s10 =	sld [smem:$0x3FB9];
	_ =	sdelay $0x3  }
0x37: {  	[smem:$0x3FB9] =	sst s10  }
0x38: {  	s10 =	sld [smem:$0x3FBA]  }
0x39: {  	_ = 	snop;
	(pc) =	sbr.ind lr, $3  }
0x3a: {  	_ = 	snop  }
0x3b: {  	_ = 	snop  }
0x3c: {  	p2 =	seq.s32 s10, $0x1;
	s10 =	sld [smem:$0x3FB9]  }
0x3d: {  	_ =	shalt  }
0x3e: {  	_ =	shalt  }
0x3f: {  	_ =	shalt  }
0x40: {  	_ =	shalt  }
0x41: {  	_ =	shalt  }
0x42: {  	_ =	shalt  }
0x43: {  	_ =	shalt  }
0x44: {  	_ =	shalt  }
0x45: {  	_ =	shalt  }
0x46: {  	_ =	shalt  }
0x47: {  	_ =	shalt  }
0x48: {  	_ =	shalt  }
0x49: {  	_ =	shalt  }
0x4a: {  	_ =	shalt  }
0x4b: {  	_ =	shalt  }
0x4c: {  	_ =	shalt  }
0x4d: {  	_ =	shalt  }
0x4e: {  	_ =	shalt  }
0x4f: {  	_ =	shalt  }
0x50: {  	_ =	shalt  }
0x51: {  	_ =	shalt  }
0x52: {  	_ =	shalt  }
0x53: {  	_ =	shalt  }
0x54: {  	_ =	shalt  }
0x55: {  	_ =	shalt  }
0x56: {  	_ =	shalt  }
0x57: {  	_ =	shalt  }
0x58: {  	_ =	shalt  }
0x59: {  	_ =	shalt  }
0x5a: {  	_ =	shalt  }
0x5b: {  	_ =	shalt  }
0x5c: {  	_ =	shalt  }
0x5d: {  	_ =	shalt  }
0x5e: {  	_ =	shalt  }
0x5f: {  	_ =	shalt  }
0x60: {  	_ =	shalt  }
0x61: {  	_ =	shalt  }
0x62: {  	_ =	shalt  }
0x63: {  	_ =	shalt  }
0x64: {  	_ =	shalt  }
0x65: {  	_ =	shalt  }
0x66: {  	_ =	shalt  }
0x67: {  	_ =	shalt  }
0x68: {  	_ =	shalt  }
0x69: {  	_ =	shalt  }
0x6a: {  	_ =	shalt  }
0x6b: {  	_ =	shalt  }
0x6c: {  	_ =	shalt  }
0x6d: {  	_ =	shalt  }
0x6e: {  	_ =	shalt  }
0x6f: {  	_ =	shalt  }
0x70: {  	_ =	shalt  }
0x71: {  	_ =	shalt  }
0x72: {  	_ =	shalt  }
0x73: {  	_ =	shalt  }
0x74: {  	_ =	shalt  }
0x75: {  	_ =	shalt  }
0x76: {  	_ =	shalt  }
0x77: {  	_ =	shalt  }
0x78: {  	_ =	shalt  }
0x79: {  	_ =	shalt  }
0x7a: {  	_ =	shalt  }
0x7b: {  	_ =	shalt  }
0x7c: {  	_ =	shalt  }
0x7d: {  	_ =	shalt  }
0x7e: {  	_ =	shalt  }
0x7f: {  	_ =	shalt  }
0x80: {  	_ =	shalt  }
0x81: {  	_ =	shalt  }
0x82: {  	_ =	shalt  }
0x83: {  	_ =	shalt  }
0x84: {  	_ =	shalt  }
0x85: {  	_ =	shalt  }
0x86: {  	_ =	shalt  }
0x87: {  	_ =	shalt  }
.Lfunc_end0:
.L_simem_size_0:
called_computation_lowered:
.L_overlay_start_0:
0x88: {  	s2 =	sld [smem:$0x3FD9]  }
0x89: {  	s3 =	sld [smem:$0x3FFE];
	_ =	sdelay $0x1  }
0x8a: {  	s1 =	srdreg.scid  }
0x8b: {  	s0 =	sand.u32 $0x1, s1  }
0x8c: {  	s14 =	sshll.u32 s0, $0xA;
	s2 =	sadd.s32 s3, s2  }
0x8d: {  	s2 =	sadd.s32 s2, s14  }
0x8e: {  	[smem:$0x3FC5] =	sst s2  }
0x8f: {  	_ = 	snop  }
0x90: {  	s2 =	sld [smem:$0x3FD0];
	_ =	sdelay $0x2  }
0x91: {  	s4 =	simm.s32 $0xA;
	s5 =	simm.s32 $0x10;
	s15 =	sld [smem:$0x3FC9]  }
0x92: {  	[smem:s5], [sflag:s4] =	dma.local [hbm:s2], $0x1  }
0x93: {  	_ =	swait.eq [sflag:s4], $0x1  }
0x94: {  	[sflag:s4] =	ssyncset.done $0x0  }
0x95: {  	s16 =	sld [smem:$0x10];
	[sflag:s4] =	ssyncadd.s32 $0xFFFFFFFF  }
0x96: {  	s17 =	sld [smem:$0x11];
	(tm) =	ssettm $0x1  }
0x97: {  	s18 =	sld [smem:$0x3FFB];
	_ =	sdelay $0x3  }
0x98: {  	_ =	strace s18  }
0x99: {  	s5 =	sld [smem:$0x3FFC];
	_ =	sdelay $0x3  }
0x9a: {  	_ =	strace s5  }
0x9b: {  	s5 =	sld [smem:$0x3FFD];
	_ =	sdelay $0x3  }
0x9c: {  	_ =	strace s5  }
0x9d: {  	_ =	strace $0x8FFFFFFF  }
0x9e: {  	s19 =	sld [smem:$0x3FDB];
	_ =	sdelay $0x1  }
0x9f: {  	s6 =	simm.s32 $_scs_section_size  }
0xa0: {  	s7 =	simm.s32 $_size__tile_overlayer_lowered;
	s8 =	simm.s32 $_tile_overlayer_lowered  }
0xa1: {  	s22 =	simm.s32 $0x1BFF;
	s21 =	sshll.u32 s8, $0x1;
	s5 =	sadd.s32 s6, s19  }
0xa2: {  	s9 =	simm.s32 $0x0;
	s20 =	sshll.u32 s7, $0x1;
	s7 =	sadd.s32 s21, s5  }
0xa3: {  	[timem:s9], [sflag:s22] =	dma.local [hbm:s7], s20  }
0xa4: {  	_ =	swait.ge [sflag:s22], s20  }
0xa5: {  	s6 =	ssub.s32 $0x0, s20;
	[sflag:s22] =	ssyncset.done $0x0  }
0xa6: {  	[sflag:s22] =	ssyncadd.s32 s6;
	_ =	sdelay $0x1  }
0xa7: {  	s23 =	simm.s32 $0x1B8B  }
0xa8: {  	_ =	swait.ge [sflag:s23], $0x1  }
0xa9: {  	[sflag:s23] =	ssyncset.done $0x0  }
0xaa: {  	s25 =	simm.s32 $0x1B8E;
	s24 =	sld [smem:$0x3FFE];
	[sflag:s23] =	ssyncadd.s32 $0xFFFFFFFF  }
0xab: {  	s26 =	simm.s32 $execute0_lowered;
	[smem:$0x3FD2] =	sst s25  }
0xac: {  	s7 =	sshll.u32 s26, $0x1;
	_ =	strace $0x80000046;
	[dreg:$0x1] =	wrdreg $0xFFFFFFFF  }
0xad: {  	s28 =	simm.s32 $_size_execute0_lowered;
	s5 =	sadd.s32 s5, s7;
	[dreg:$0x0] =	wrdreg $0x0  }
0xae: {  	s7 =	sshll.u32 s28, $0x1;
	[dreg:$0x2] =	wrdreg s5  }
0xaf: {  	[dreg:$0x3] =	wrdreg s7  }
0xb0: {  	[dreg:$0x4] =	wrdreg $0xC0  }
0xb1: {  	_ =	task [dreg:s9], $0x5FFFF  }
0xb2: {  	[dreg:$0x1] =	wrdreg $0xFFFFFFFF  }
0xb3: {  	[dreg:$0x0] =	wrdreg $0x60  }
0xb4: {  	[dreg:$0x2] =	wrdreg s15  }
0xb5: {  	[dreg:$0x3] =	wrdreg s24  }
0xb6: {  	[dreg:$0x4] =	wrdreg s17  }
0xb7: {  	[dreg:$0x5] =	wrdreg s16  }
0xb8: {  	[dreg:$0x6] =	wrdreg $0x90400  }
0xb9: {  	[dreg:$0x7] =	wrdreg $0x1D0400  }
0xba: {  	[dreg:$0x8] =	wrdreg $0x9  }
0xbb: {  	_ =	task.clear_ibuf [dreg:s9], $0x9FFFF;
	_ =	strace $0x90000046  }
0xbc: {  	s29 =	simm.s32 $0x9;
	_ =	strace $0x80000048  }
0xbd: {  	_ =	swait.ge [sflag:s29], $0x1  }
0xbe: {  	[sflag:s29] =	ssyncadd.s32 $0xFFFFFFFF  }
0xbf: {  	_ =	strace $0x90000048  }
0xc0: {  	_ =	sfence  }
0xc1: {  	s30 =	sld [smem:$0x0];
	_ =	sdelay $0x2  }
0xc2: {  	s31 =	sshll.u32 s1, $0xD;
	s1 =	sshrl.u32 s1, $0x2  }
0xc3: {  	s3 =	sand.u32 $0x4000, s31;
	s1 =	sadd.s32 s1, s30  }
0xc4: {  	s0 =	sor.u32 s3, s0;
	s1 =	sshll.u32 s1, $0x11  }
0xc5: {  	s0 =	sor.u32 s1, s0  }
0xc6: {  	s0 =	sadd.s32 $0x8F2B, s0  }
0xc7: {  	[sflag:s0] =	ssyncadd.remote.s32 $0x1  }
0xc8: {  	_ =	sfence.sel $0xFFFF  }
0xc9: {  	[dreg:$0x0] =	wrdreg $0xFFFFFFFF;
	(pc) =	sbr.abs _section_cstart, $3  }
0xca: {  	[dreg:$0x1] =	wrdreg $0xFFFFFFFF  }
0xcb: {  	_ =	task.clear_ibuf [dreg:s9], $0x2FFFF;
	_ =	strace $0x9FFFFFFF  }
0xcc: {  	(tm) =	ssettm $0x7FFFFFFF  }
0xcd: {  	_ =	shalt  }
tec
execute0_lowered:
.L_overlay_start_1:
0x0: {  	(tag) =	ssettag $0x1  }
0x1: {  	s0 =	rddreg [dreg:$0x0]  }
0x2: {  	s9 =	rddreg [dreg:$0x1]  }
0x3: {  	s11 =	rddreg [dreg:$0x3]  }
0x4: {  	s4 =	rddreg [dreg:$0x4];
	s3 =	srdreg.scid  }
0x5: {  	s1 =	stileid.u32;
	s5 =	rddreg [dreg:$0x5];
	s6 =	simm.s32 $0x0  }
0x6: {  	s20 =	simm.s32 $0x1;
	s21 =	simm.s32 $0x7000;
	s28 =	simm.s32 $0x4FC0  }
0x7: {  	s29 =	simm.s32 $0x4F80;
	s30 =	simm.s32 $0x0;
	s15 =	smul.u32 $0x280, s1  }
0x8: {  	s10 =	sand.u32 $0x1, s3;
	s7 =	sshll.u32 s1, $0x1;
	s16 =	smul.u32 $0x14000, s1  }
0x9: {  	[smem:$0x7FF] =	sst s6;
	s8 =	sadd.s32 $0x14A00, s9;
	s13 =	smul.u32 $0x500, s10  }
0xa: {  	s31 =	sshll.u32 s1, $0x6;
	s7 =	sor.u32 s10, s7;
	s17 =	smul.u32 $0x28000, s10  }
0xb: {  	_ =	strace $0x80000047;
	s14 =	ssub.s32 $0x2, s10;
	s7 =	smul.u32 $0x500, s7  }
0xc: {  	s26 =	sshrl.u32 s14, $0x1;
	s18 =	sadd.s32 s16, s4;
	s19 =	sadd.s32 s15, s5  }
0xd: {  	s23 =	sshrl.u32 s16, $0x3;
	s25 =	sshrl.u32 s15, $0x3;
	s15 =	sor.u32 $0x1C05, s31  }
0xe: {  	s13 =	sadd.s32 s13, s9;
	s14 =	ssub.s32 s14, s26;
	s22 =	sadd.s32 s11, s17  }
0xf: {  	s16 =	sshrl.u32 s18, $0x3;
	s17 =	sshrl.u32 s19, $0x3;
	s18 =	simm.s32 $0x40  }
0x10: {  	s19 =	simm.s32 $0x5000;
	s26 =	simm.s32 $0x4;
	s12 =	sadd.s32 s7, s9  }
0x11: {  	s7 =	sadd.s32 $0x14C00, s9;
	s24 =	sadd.s32 $0x17400, s13;
	s11 =	smax.u32 s14, $0x1  }
0x12: {  	s13 =	simm.s32 $0x2800;
	s14 =	simm.s32 $0x9000;
	s22 =	sadd.s32 s23, s22  }
0x13: {  	s23 =	simm.s32 $0x3;
	s9 =	sadd.s32 $0xA00, s12;
	s10 =	sadd.s32 $0xAA00, s12  }
0x14: {  	s12 =	simm.s32 $0x5;
	s24 =	sadd.s32 s25, s24;
	s25 =	simm.s32 $0x2  }
.LBB2_1:
0x15: {  	[tilespmem:s6], [sflag:$0x5] =	stream.linear.gather [hbm4b:s9+s6], $0x2800, $0x38;
	[tilespmem:$0x1D2C0] =	vst v63  }
0x16: {  	_ =	swait.ge [sflag:s12], $0x2800  }
0x17: {  	[sflag:s12] =	ssyncset.done $0x0  }
0x18: {  	[sflag:s12] =	ssyncadd.s32 $0xFFFFD800  }
0x19: {  	[tilespmem:s13], [sflag:$0x5] =	stream.linear.gather [hbm4b:s10+s6], $0x2800, $0x38;
	[tilespmem:$0x1D2C0] =	vst v63  }
0x1a: {  	_ =	swait.ge [sflag:s12], $0x2800  }
0x1b: {  	[sflag:s12] =	ssyncset.done $0x0  }
0x1c: {  	[sflag:s12] =	ssyncadd.s32 $0xFFFFD800  }
0x1d: {  	[tilespmem:s14], [sflag:$0x5] =	stream.linear.gather [hbm4b:s8+s6], $0x40, $0x38;
	[tilespmem:$0x1D2C0] =	vst v63  }
0x1e: {  	_ =	swait.ge [sflag:s12], $0x40  }
0x1f: {  	[sflag:s12] =	ssyncset.done $0x0  }
0x20: {  	[sflag:s12] =	ssyncadd.s32 $0xFFFFFFC0  }
0x21: {  	[spmem:s16], [sflag:s15] =	dma.local [hbm:s7], $0x2800  }
0x22: {  	_ =	swait.ge [sflag:s12], $0x2800  }
0x23: {  	[sflag:s12] =	ssyncset.done $0x0  }
0x24: {  	[sflag:s12] =	ssyncadd.s32 $0xFFFFD800  }
0x25: {  	s1 =	rddreg [dreg:$0x2]  }
0x26: {  	[spmem:s17], [sflag:s15] =	dma.local [hbm:s1], $0x50  }
0x27: {  	_ =	swait.ge [sflag:s12], $0x50  }
0x28: {  	[sflag:s12] =	ssyncset.done $0x0  }
0x29: {  	[sflag:s12] =	ssyncadd.s32 $0xFFFFFFB0  }
0x2a: {  	[bflag:$0x0] =	sbarrier.arrive $0xFFFF  }
0x2b: {  	[tilespmem:s19], [sflag:$0x1] =	stream.indirect.gather [hbm4b:s0+s18], $0x80, s6, s18, $0xb8;
	[tilespmem:$0x1D2C0] =	vst v63  }
0x2c: {  	_ =	swait.ge [sflag:s20], $0x2000  }
0x2d: {  	[sflag:s20] =	ssyncset.done $0x0  }
0x2e: {  	[sflag:s20] =	ssyncadd.s32 $0xFFFFE000  }
0x2f: {  	[spmem:s4] =	stream.indirect.scatter.add.f32 [tilespmem:s19], [sflag:$0x3], $0x80, s13, s18, $0xb8;
	[tilespmem:$0x1D2C0] =	vst v63  }
0x30: {  	_ = 	snop  }
0x31: {  	[tilespmem:s21], [sflag:$0x2] =	stream.indirect.gather [hbm4b:s0+s18], $0x80, s18, s18, $0xb8;
	[tilespmem:$0x1D2C0] =	vst v63  }
0x32: {  	_ =	swait.ge [sflag:s23], $0x2000  }
0x33: {  	[sflag:s23] =	ssyncset.done $0x0  }
0x34: {  	s31 =	simm.s32 $0x80;
	[sflag:s23] =	ssyncadd.s32 $0xFFFFE000  }
0x35: {  	[tilespmem:s19], [sflag:$0x1] =	stream.indirect.gather [hbm4b:s0+s18], $0x80, s31, s18, $0xb8;
	[tilespmem:$0x1D2C0] =	vst v63  }
0x36: {  	_ =	swait.ge [sflag:s25], $0x2000  }
0x37: {  	[sflag:s25] =	ssyncset.done $0x0  }
0x38: {  	s31 =	simm.s32 $0x2840;
	[sflag:s25] =	ssyncadd.s32 $0xFFFFE000  }
0x39: {  	[spmem:s4] =	stream.indirect.scatter.add.f32 [tilespmem:s21], [sflag:$0x4], $0x80, s31, s18, $0xb8;
	[tilespmem:$0x1D2C0] =	vst v63  }
0x3a: {  	s3 =	simm.s32 $0x2800  }
0x3b: {  	[spmem:s5] =	stream.indirect.scatter.add.f32 [tilespmem:s14], [sflag:$0x5], $0x1, s3, s18, $0xb8;
	[tilespmem:$0x1D2C0] =	vst v63  }
0x3c: {  	_ =	swait.ge [sflag:s12], $0x40  }
0x3d: {  	[sflag:s12] =	ssyncset.done $0x0  }
0x3e: {  	[sflag:s12] =	ssyncadd.s32 $0xFFFFFFC0  }
0x3f: {  	_ =	swait.ge [sflag:s26], $0x2000  }
0x40: {  	[sflag:s26] =	ssyncset.done $0x0  }
0x41: {  	s1 =	simm.s32 $0xC0;
	[sflag:s26] =	ssyncadd.s32 $0xFFFFE000  }
0x42: {  	[tilespmem:s21], [sflag:$0x2] =	stream.indirect.gather [hbm4b:s0+s18], $0x80, s1, s18, $0xb8;
	[tilespmem:$0x1D2C0] =	vst v63  }
0x43: {  	_ =	swait.ge [sflag:s20], $0x2000  }
0x44: {  	[sflag:s20] =	ssyncset.done $0x0  }
0x45: {  	s2 =	simm.s32 $0x2880;
	[sflag:s20] =	ssyncadd.s32 $0xFFFFE000  }
0x46: {  	[spmem:s4] =	stream.indirect.scatter.add.f32 [tilespmem:s19], [sflag:$0x3], $0x80, s2, s18, $0xb8;
	[tilespmem:$0x1D2C0] =	vst v63  }
0x47: {  	_ = 	snop  }
0x48: {  	[spmem:s5] =	stream.indirect.scatter.add.f32 [tilespmem:s14], [sflag:$0x5], $0x1, s31, s18, $0xb8;
	[tilespmem:$0x1D2C0] =	vst v63  }
0x49: {  	_ =	swait.ge [sflag:s12], $0x40  }
0x4a: {  	s31 =	simm.s32 $0x200;
	[sflag:s12] =	ssyncset.done $0x0  }
.LBB2_2:
0x4b: {  	p0 =	sne.s32 s31, $0x9C00  }
0x4c: {  	[sflag:s12] =	ssyncadd.s32 $0xFFFFFFC0;
	s3 =	smov.u32 s31;
	s31 =	sadd.s32 $0x200, s31  }
0x4d: {  	_ = 	snop  }
0x4e: {  	_ =	swait.ge [sflag:s23], $0x2000  }
0x4f: {  	s3 =	sshra.s32 s3, $0x2;
	[sflag:s23] =	ssyncset.done $0x0  }
0x50: {  	s1 =	sadd.s32 $0x80, s3;
	[sflag:s23] =	ssyncadd.s32 $0xFFFFE000  }
0x51: {  	[tilespmem:s19], [sflag:$0x1] =	stream.indirect.gather [hbm4b:s0+s18], $0x80, s1, s18, $0xb8;
	[tilespmem:$0x1D2C0] =	vst v63  }
0x52: {  	_ =	swait.ge [sflag:s25], $0x2000  }
0x53: {  	[sflag:s25] =	ssyncset.done $0x0  }
0x54: {  	s1 =	sadd.s32 $0x2840, s3;
	[sflag:s25] =	ssyncadd.s32 $0xFFFFE000  }
0x55: {  	[spmem:s4] =	stream.indirect.scatter.add.f32 [tilespmem:s21], [sflag:$0x4], $0x80, s1, s18, $0xb8;
	[tilespmem:$0x1D2C0] =	vst v63  }
0x56: {  	s2 =	sadd.s32 $0x2800, s3  }
0x57: {  	[spmem:s5] =	stream.indirect.scatter.add.f32 [tilespmem:s14], [sflag:$0x5], $0x1, s2, s18, $0xb8;
	[tilespmem:$0x1D2C0] =	vst v63  }
0x58: {  	_ =	swait.ge [sflag:s12], $0x40  }
0x59: {  	[sflag:s12] =	ssyncset.done $0x0  }
0x5a: {  	[sflag:s12] =	ssyncadd.s32 $0xFFFFFFC0  }
0x5b: {  	_ =	swait.ge [sflag:s26], $0x2000  }
0x5c: {  	[sflag:s26] =	ssyncset.done $0x0  }
0x5d: {  	s2 =	sadd.s32 $0xC0, s3;
	[sflag:s26] =	ssyncadd.s32 $0xFFFFE000  }
0x5e: {  	[tilespmem:s21], [sflag:$0x2] =	stream.indirect.gather [hbm4b:s0+s18], $0x80, s2, s18, $0xb8;
	[tilespmem:$0x1D2C0] =	vst v63  }
0x5f: {  	_ =	swait.ge [sflag:s20], $0x2000  }
0x60: {  	[sflag:s20] =	ssyncset.done $0x0  }
0x61: {  	s2 =	sadd.s32 $0x2880, s3;
	[sflag:s20] =	ssyncadd.s32 $0xFFFFE000  }
0x62: {  	[spmem:s4] =	stream.indirect.scatter.add.f32 [tilespmem:s19], [sflag:$0x3], $0x80, s2, s18, $0xb8;
	[tilespmem:$0x1D2C0] =	vst v63  }
.Ltmp0:
0x63: {  	_ = 	snop;
	(pc) =	sbr.rel @p0 .LBB2_2-.Ltmp0, $4  }
0x64: {  	_ = 	snop  }
0x65: {  	[spmem:s5] =	stream.indirect.scatter.add.f32 [tilespmem:s14], [sflag:$0x5], $0x1, s1, s18, $0xb8;
	[tilespmem:$0x1D2C0] =	vst v63  }
0x66: {  	_ =	swait.ge [sflag:s12], $0x40  }
0x67: {  	[sflag:s12] =	ssyncset.done $0x0  }
0x68: {  	[sflag:s12] =	ssyncadd.s32 $0xFFFFFFC0  }
0x69: {  	_ =	swait.ge [sflag:s23], $0x2000  }
0x6a: {  	[sflag:s23] =	ssyncset.done $0x0  }
0x6b: {  	[sflag:s23] =	ssyncadd.s32 $0xFFFFE000  }
0x6c: {  	_ =	swait.ge [sflag:s25], $0x2000  }
0x6d: {  	[sflag:s25] =	ssyncset.done $0x0  }
0x6e: {  	[sflag:s25] =	ssyncadd.s32 $0xFFFFE000  }
0x6f: {  	[spmem:s4] =	stream.indirect.scatter.add.f32 [tilespmem:s21], [sflag:$0x4], $0x80, s28, s18, $0xb8;
	[tilespmem:$0x1D2C0] =	vst v63  }
0x70: {  	_ =	swait.ge [sflag:s26], $0x2000  }
0x71: {  	[sflag:s26] =	ssyncset.done $0x0  }
0x72: {  	[sflag:s26] =	ssyncadd.s32 $0xFFFFE000  }
0x73: {  	[spmem:s5] =	stream.indirect.scatter.add.f32 [tilespmem:s14], [sflag:$0x5], $0x1, s29, s18, $0xb8;
	[tilespmem:$0x1D2C0] =	vst v63  }
0x74: {  	_ =	swait.ge [sflag:s12], $0x40  }
0x75: {  	[sflag:s12] =	ssyncset.done $0x0  }
0x76: {  	[sflag:s12] =	ssyncadd.s32 $0xFFFFFFC0  }
0x77: {  	[spmem:s5] =	stream.indirect.scatter.add.f32 [tilespmem:s14], [sflag:$0x5], $0x1, s28, s18, $0xb8;
	[tilespmem:$0x1D2C0] =	vst v63  }
0x78: {  	_ =	swait.ge [sflag:s12], $0x40  }
0x79: {  	[sflag:s12] =	ssyncset.done $0x0  }
0x7a: {  	[sflag:s12] =	ssyncadd.s32 $0xFFFFFFC0  }
0x7b: {  	[bflag:$0x0] =	sbarrier.arrive $0xFFFF  }
0x7c: {  	[hbm:s22], [sflag:s15] =	dma.local [spmem:s16], $0x2800  }
0x7d: {  	s30 =	sadd.s32 $0x1, s30;
	_ =	swait.ge [sflag:s12], $0x2800  }
0x7e: {  	p0 =	sne.s32 s30, s11;
	[sflag:s12] =	ssyncset.done $0x0  }
.Ltmp1:
0x7f: {  	[sflag:s12] =	ssyncadd.s32 $0xFFFFD800;
	(pc) =	sbr.rel @p0 .LBB2_1-.Ltmp1, $4  }
0x80: {  	[hbm:s24], [sflag:s15] =	dma.local [spmem:s17], $0x50  }
0x81: {  	_ =	swait.ge [sflag:s12], $0x50  }
0x82: {  	[sflag:s12] =	ssyncset.done $0x0  }
0x83: {  	[sflag:s12] =	ssyncadd.s32 $0xFFFFFFB0  }
0x84: {  	_ =	sfence.sel $0x180000  }
0x85: {  	[bflag:$0x0] =	sbarrier.arrive $0xFFFF  }
0x86: {  	_ =	strace $0x90000047  }
0x87: {  	s0 =	stileid.u32;
	[bflag:$0x2] =	sbarrier.arrive $0xFFFF  }
0x88: {  	p0 =	sne.s32 s0, $0x0;
	s0 =	rddreg [dreg:$0x6]  }
0x89: {  	s0 =	sadd.s32 @!p0 $0x100000, s0  }
0x8a: {  	[sflag:s0] =	ssyncadd.tile.s32 @!p0 $0x1;
	_ =	shalt  }
.Lfunc_end2:
_tile_overlayer_lowered:
.L_overlay_start_2:
0x8b: {  	(tag) =	ssettag $0x2  }
0x8c: {  	s0 =	rddreg [dreg:$0x0];
	s2 =	stileid.u32  }
0x8d: {  	s1 =	rddreg [dreg:$0x1];
	p0 =	sne.s32 s2, $0x0  }
0x8e: {  	s3 =	rddreg [dreg:$0x2];
	[bflag:$0x3] =	sbarrier.arrive $0xFFFF;
	s2 =	simm.s32 @!p0 $0x1C05  }
0x8f: {  	[timem:s3], [sflag:s2] =	dma.local @!p0 [hbm:s0], s1  }
0x90: {  	s0 =	simm.s32 @!p0 $0x5  }
0x91: {  	_ =	swait.ge @!p0 [sflag:s0], s1  }
0x92: {  	s1 =	ssub.s32 @!p0 $0x0, s1;
	[sflag:s0] =	ssyncset.done @!p0 $0x0  }
0x93: {  	[sflag:s0] =	ssyncadd.s32 @!p0 s1  }
0x94: {  	[bflag:$0x3] =	sbarrier.arrive $0xFFFF  }
0x95: {  	_ =	shalt  }

</sc_bundles>
